<compile_context>
chip_gen: v7x
topology: tpu7x:2x2x1
jax: 0.10.2.dev20260603
libtpu: 0.0.44.dev20260713+nightly
codegen_flags: <defaults>
</compile_context>

<pallas_src>
import jax
import jax.numpy as jnp
from jax import lax
from jax.experimental import pallas as pl
from jax.experimental.pallas import tpu as pltpu
from jax.experimental.pallas import tpu_sc as plsc

_M = 8
_D = 128
_B = 16384
_C = 10
_MC = _M * _C

_BT = 4096

_NW = 32
_SPT = _B // _NW


def _votes_body(w_ref, b_ref, x_ref, out_ref):
    r80c = lax.broadcasted_iota(jnp.int32, (_MC, _C), 0)
    c1 = (r80c // _M == lax.broadcasted_iota(jnp.int32, (_MC, _C), 1))
    brows = jnp.concatenate([b_ref[...]] * _C, axis=0)
    bias = jnp.sum(jnp.where(c1, brows, 0.0), axis=1, keepdims=True)

    lm = lax.dot_general(
        w_ref[...], x_ref[...], (((1,), (1,)), ((), ())),
        preferred_element_type=jnp.float32,
    )
    lm = lm + bias
    row = lax.broadcasted_iota(jnp.int32, (_MC, _BT), 0)
    cl = row >> 3
    val = lm
    idx = cl
    for s in (1, 2, 4, 8):
        sval = pltpu.roll(val, _MC - _M * s, 0)
        sidx = pltpu.roll(idx, _MC - _M * s, 0)
        take = (cl < _C - s) & (sval > val)
        val = jnp.where(take, sval, val)
        idx = jnp.where(take, sidx, idx)
    contrib = jnp.where(cl == 0, idx << ((row & 7) * 4), 0)
    out_ref[...] = jnp.sum(contrib, axis=0, keepdims=True)[None]


def _tc_votes(x, W, b):
    Wp = W.transpose(2, 0, 1).reshape(_MC, _D)
    grid = (_B // _BT,)
    return pl.pallas_call(
        _votes_body,
        grid=grid,
        in_specs=[
            pl.BlockSpec((_MC, _D), lambda i: (0, 0)),
            pl.BlockSpec((_M, _C), lambda i: (0, 0)),
            pl.BlockSpec((_BT, _D), lambda i: (i, 0)),
        ],
        out_specs=pl.BlockSpec((1, 1, _BT), lambda i: (i, 0, 0)),
        out_shape=jax.ShapeDtypeStruct((_B // _BT, 1, _BT), jnp.int32),
        compiler_params=pltpu.CompilerParams(skip_device_barrier=True),
    )(Wp, b, x)


def _sc_body(packed_hbm, out_hbm, packed_v, counts_v):
    wid = lax.axis_index("s") * 2 + lax.axis_index("c")
    base = wid * _SPT
    chunks = _BT // _SPT
    pltpu.sync_copy(
        packed_hbm.at[wid // chunks, 0, pl.ds((wid % chunks) * _SPT, _SPT)],
        packed_v)

    lane = lax.iota(jnp.int32, 16)
    zeros = jnp.zeros((16,), jnp.float32)
    ones = jnp.ones((16,), jnp.float32)

    def vote_body(j, carry):
        s = j * 16 + lane
        for c in range(_C):
            cvec = jnp.full((16,), c, jnp.int32)
            plsc.store_scatter(counts_v, [cvec, s], zeros)
        p = packed_v[pl.ds(j * 16, 16)]
        for m in range(_M):
            v = (p >> (4 * m)) & 15
            plsc.addupdate_scatter(counts_v, [v, s], ones)
        return carry

    lax.fori_loop(0, _SPT // 16, vote_body, 0)

    pltpu.sync_copy(counts_v, out_hbm.at[:, pl.ds(base, _SPT)])


def _sc_bincount(packed):
    run = pl.kernel(
        _sc_body,
        mesh=plsc.VectorSubcoreMesh(core_axis_name="c", subcore_axis_name="s"),
        out_type=jax.ShapeDtypeStruct((_C, _B), jnp.float32),
        scratch_types=[
            pltpu.VMEM((_SPT,), jnp.int32),
            pltpu.VMEM((_C, _SPT), jnp.float32),
        ],
        compiler_params=pltpu.CompilerParams(
            needs_layout_passes=False, skip_device_barrier=True),
    )
    return run(packed)


@jax.jit
def kernel(x, W, b):
    packed = _tc_votes(x, W, b)
    return _sc_bincount(packed).T

# --- scband reference (transcript-rebuilt; emitter-appended) ---
"""Pipeline reference for scband-committee-64218351010273 (READ-ONLY COPY).

The authoritative reference and input builder live on the scoring server;
editing this copy changes nothing except your own understanding.
"""

import jax, jax.numpy as jnp
import numpy as np

M = 8      # number of committee members
D = 128    # input feature dim
B = 16384  # batch size
C = 10     # num classes (bincount minlength=10)

def setup_inputs(seed: int = 0) -> dict:
    key = jax.random.key(seed)
    kx, kw, kb = jax.random.split(key, 3)
    x = jax.random.normal(kx, (B, D), dtype=jnp.float32)
    # Learned parameters: M linear classifiers (equivalent of nn.Linear(D, C) per model)
    W = jax.random.normal(kw, (M, D, C), dtype=jnp.float32) * 0.05
    b = jax.random.normal(kb, (M, C), dtype=jnp.float32) * 0.05
    return {"x": x, "W": W, "b": b}

def reference(x, W, b):
    # Each model forward + argmax over classes -> predictions [M, B]
    logits = jnp.einsum('bd,mdc->mbc', x, W) + b[:, None, :]   # [M, B, C]
    preds = jnp.argmax(logits, axis=2)                          # [M, B] int
    # torch: for each sample i, bincount(predictions[:, i], minlength=10) -> [B, 10]
    # Equivalent: sum of one-hot votes across committee members.
    counts = jax.nn.one_hot(preds, C, dtype=jnp.float32).sum(axis=0)  # [B, C]
    return counts

if __name__ == "__main__":
    import jax
    _d = setup_inputs()
    print(jax.jit(kernel)(*tuple(_d.values())))

</pallas_src>

<mosaic_0001>
#map = affine_map<(d0, d1) -> (0, 0, 0)>
#map1 = affine_map<(d0, d1) -> (0, 0)>
module attributes {stable_mosaic.version = 14 : i64} {
  func.func @_sc_body(%arg0: i32, %arg1: i32, %arg2: memref<4x1x4096xi32, #tpu.memory_space<hbm>>, %arg3: memref<10x16384xf32, #tpu.memory_space<hbm>>, %arg4: memref<512xi32, #tpu.memory_space<vmem>>, %arg5: memref<10x512xf32, #tpu.memory_space<vmem>>) attributes {dimension_semantics = [#tpu.dimension_semantics<core_parallel>, #tpu.dimension_semantics<subcore_parallel>], iteration_bounds = array<i64: 2, 16>, scalar_prefetch = 0 : i64, scratch_operands = 2 : i64, tpu.core_type = #tpu.core_type<sc_vector_subcore>, window_params = [{transform_indices = #map}, {transform_indices = #map1}]} {
    %mul3A = arith.constant 2 : i32
    %mul3A_0 = arith.muli %arg1, %mul3A : i32
    %add3A = arith.addi %mul3A_0, %arg0 : i32
    %mul3A_1 = arith.constant 512 : i32
    %mul3A_2 = arith.muli %add3A, %mul3A_1 : i32
    %jit3A = arith.constant 8 : i32
    %div3A = arith.divsi %add3A, %jit3A : i32
    %sign3A = arith.constant 0 : i32
    %sign3A_3 = arith.cmpi sgt, %add3A, %sign3A : i32
    %sign3A_4 = arith.extui %sign3A_3 : i1 to i32
    %sign3A_5 = arith.constant 0 : i32
    %sign3A_6 = arith.cmpi slt, %add3A, %sign3A_5 : i32
    %sign3A_7 = arith.extui %sign3A_6 : i1 to i32
    %sign3A_8 = arith.subi %sign3A_4, %sign3A_7 : i32
    %sign3A_9 = arith.constant 0 : i32
    %sign3A_10 = arith.cmpi sgt, %jit3A, %sign3A_9 : i32
    %sign3A_11 = arith.extui %sign3A_10 : i1 to i32
    %sign3A_12 = arith.constant 0 : i32
    %sign3A_13 = arith.cmpi slt, %jit3A, %sign3A_12 : i32
    %sign3A_14 = arith.extui %sign3A_13 : i1 to i32
    %sign3A_15 = arith.subi %sign3A_11, %sign3A_14 : i32
    %ne3A = arith.cmpi ne, %sign3A_8, %sign3A_15 : i32
    %rem3A = arith.remsi %add3A, %jit3A : i32
    %ne3A_16 = arith.constant 0 : i32
    %ne3A_17 = arith.cmpi ne, %rem3A, %ne3A_16 : i32
    %and3A = arith.andi %ne3A, %ne3A_17 : i1
    %sub3A = arith.constant 1 : i32
    %sub3A_18 = arith.subi %div3A, %sub3A : i32
    %select_n3A = arith.select %and3A, %sub3A_18, %div3A : i32
    %jit3A_19 = arith.constant 8 : i32
    %eq3A = arith.constant 0 : i32
    %eq3A_20 = arith.cmpi eq, %jit3A_19, %eq3A : i32
    %jit3A_21 = arith.constant 1 : i32
    %select_n3A_22 = arith.select %eq3A_20, %jit3A_21, %jit3A_19 : i32
    %rem3A_23 = arith.remsi %add3A, %select_n3A_22 : i32
    %ne3A_24 = arith.constant 0 : i32
    %ne3A_25 = arith.cmpi ne, %rem3A_23, %ne3A_24 : i32
    %lt3A = arith.constant 0 : i32
    %lt3A_26 = arith.cmpi slt, %rem3A_23, %lt3A : i32
    %lt3A_27 = arith.constant 0 : i32
    %lt3A_28 = arith.cmpi slt, %select_n3A_22, %lt3A_27 : i32
    %ne3A_29 = arith.xori %lt3A_26, %lt3A_28 : i1
    %and3A_30 = arith.andi %ne3A_29, %ne3A_25 : i1
    %add3A_31 = arith.addi %rem3A_23, %select_n3A_22 : i32
    %select_n3A_32 = arith.select %and3A_30, %add3A_31, %rem3A_23 : i32
    %mul3A_33 = arith.constant 512 : i32
    %mul3A_34 = arith.muli %select_n3A_32, %mul3A_33 : i32
    %run_scoped3A = arith.constant 0 : i32
    "tpu.region"() ({
      %run_scoped3A_43 = tpu.sem_alloc : memref<!tpu.dma_semaphore, #tpu.memory_space<semaphore_mem>>
      %dma_start3A = tpu.memref_slice %arg2[%select_n3A, %run_scoped3A, %mul3A_34] : memref<4x1x4096xi32, #tpu.memory_space<hbm>> -> memref<1x1x512xi32, #tpu.memory_space<hbm>>
      %dma_start3A_44 = tpu.memref_squeeze %dma_start3A : memref<1x1x512xi32, #tpu.memory_space<hbm>> -> memref<512xi32, #tpu.memory_space<hbm>>
      %dma_start3A_45 = tpu.memref_slice %arg2[%select_n3A, %run_scoped3A, %mul3A_34] : memref<4x1x4096xi32, #tpu.memory_space<hbm>> -> memref<1x1x512xi32, #tpu.memory_space<hbm>>
      %dma_start3A_46 = tpu.memref_squeeze %dma_start3A_45 : memref<1x1x512xi32, #tpu.memory_space<hbm>> -> memref<512xi32, #tpu.memory_space<hbm>>
      tpu.enqueue_dma source(%dma_start3A_46 : memref<512xi32, #tpu.memory_space<hbm>>) target(%arg4 : memref<512xi32, #tpu.memory_space<vmem>>) target_semaphore(%run_scoped3A_43 : memref<!tpu.dma_semaphore, #tpu.memory_space<semaphore_mem>>)
      %dma_wait3A = tpu.memref_slice %arg2[%select_n3A, %run_scoped3A, %mul3A_34] : memref<4x1x4096xi32, #tpu.memory_space<hbm>> -> memref<1x1x512xi32, #tpu.memory_space<hbm>>
      %dma_wait3A_47 = tpu.memref_squeeze %dma_wait3A : memref<1x1x512xi32, #tpu.memory_space<hbm>> -> memref<512xi32, #tpu.memory_space<hbm>>
      %dma_wait3A_48 = tpu.memref_slice %arg2[%select_n3A, %run_scoped3A, %mul3A_34] : memref<4x1x4096xi32, #tpu.memory_space<hbm>> -> memref<1x1x512xi32, #tpu.memory_space<hbm>>
      %dma_wait3A_49 = tpu.memref_squeeze %dma_wait3A_48 : memref<1x1x512xi32, #tpu.memory_space<hbm>> -> memref<512xi32, #tpu.memory_space<hbm>>
      tpu.wait_dma2 semaphore(%run_scoped3A_43 : memref<!tpu.dma_semaphore, #tpu.memory_space<semaphore_mem>>) src(%dma_wait3A_49 : memref<512xi32, #tpu.memory_space<hbm>>) dst(%arg4 : memref<512xi32, #tpu.memory_space<vmem>>)
      tpu.yield
    }) : () -> ()
    %iota3A = tpu.iota {dimensions = array<i32: 0>} : vector<16xi32>
    %broadcast_in_dim3A = arith.constant 0.000000e+00 : f32
    %broadcast_in_dim3A_35 = vector.broadcast %broadcast_in_dim3A : f32 to vector<16xf32>
    %broadcast_in_dim3A_36 = arith.constant 1.000000e+00 : f32
    %broadcast_in_dim3A_37 = vector.broadcast %broadcast_in_dim3A_36 : f32 to vector<16xf32>
    %scan3A = arith.constant 0 : i32
    %scan3A_38 = arith.constant 0 : i32
    %scan3A_39 = arith.constant 32 : i32
    %scan3A_40 = arith.addi %scan3A_38, %scan3A_39 : i32
    %scan3A_41 = arith.constant 1 : i32
    scf.for %scan3A_43 = %scan3A_38 to %scan3A_40 step %scan3A_41  : i32 {
      %mul3A_44 = arith.constant 16 : i32
      %mul3A_45 = arith.muli %scan3A_43, %mul3A_44 : i32
      %add3A_46 = vector.broadcast %mul3A_45 : i32 to vector<16xi32>
      %add3A_47 = arith.addi %add3A_46, %iota3A : vector<16xi32>
      %broadcast_in_dim3A_48 = arith.constant 0 : i32
      %broadcast_in_dim3A_49 = vector.broadcast %broadcast_in_dim3A_48 : i32 to vector<16xi32>
      tpu.vector_store_idx %arg5[%broadcast_in_dim3A_49, %add3A_47], %broadcast_in_dim3A_35 : memref<10x512xf32, #tpu.memory_space<vmem>>[vector<16xi32>, vector<16xi32>], vector<16xf32>,
      %broadcast_in_dim3A_50 = arith.constant 1 : i32
      %broadcast_in_dim3A_51 = vector.broadcast %broadcast_in_dim3A_50 : i32 to vector<16xi32>
      tpu.vector_store_idx %arg5[%broadcast_in_dim3A_51, %add3A_47], %broadcast_in_dim3A_35 : memref<10x512xf32, #tpu.memory_space<vmem>>[vector<16xi32>, vector<16xi32>], vector<16xf32>,
      %broadcast_in_dim3A_52 = arith.constant 2 : i32
      %broadcast_in_dim3A_53 = vector.broadcast %broadcast_in_dim3A_52 : i32 to vector<16xi32>
      tpu.vector_store_idx %arg5[%broadcast_in_dim3A_53, %add3A_47], %broadcast_in_dim3A_35 : memref<10x512xf32, #tpu.memory_space<vmem>>[vector<16xi32>, vector<16xi32>], vector<16xf32>,
      %broadcast_in_dim3A_54 = arith.constant 3 : i32
      %broadcast_in_dim3A_55 = vector.broadcast %broadcast_in_dim3A_54 : i32 to vector<16xi32>
      tpu.vector_store_idx %arg5[%broadcast_in_dim3A_55, %add3A_47], %broadcast_in_dim3A_35 : memref<10x512xf32, #tpu.memory_space<vmem>>[vector<16xi32>, vector<16xi32>], vector<16xf32>,
      %broadcast_in_dim3A_56 = arith.constant 4 : i32
      %broadcast_in_dim3A_57 = vector.broadcast %broadcast_in_dim3A_56 : i32 to vector<16xi32>
      tpu.vector_store_idx %arg5[%broadcast_in_dim3A_57, %add3A_47], %broadcast_in_dim3A_35 : memref<10x512xf32, #tpu.memory_space<vmem>>[vector<16xi32>, vector<16xi32>], vector<16xf32>,
      %broadcast_in_dim3A_58 = arith.constant 5 : i32
      %broadcast_in_dim3A_59 = vector.broadcast %broadcast_in_dim3A_58 : i32 to vector<16xi32>
      tpu.vector_store_idx %arg5[%broadcast_in_dim3A_59, %add3A_47], %broadcast_in_dim3A_35 : memref<10x512xf32, #tpu.memory_space<vmem>>[vector<16xi32>, vector<16xi32>], vector<16xf32>,
      %broadcast_in_dim3A_60 = arith.constant 6 : i32
      %broadcast_in_dim3A_61 = vector.broadcast %broadcast_in_dim3A_60 : i32 to vector<16xi32>
      tpu.vector_store_idx %arg5[%broadcast_in_dim3A_61, %add3A_47], %broadcast_in_dim3A_35 : memref<10x512xf32, #tpu.memory_space<vmem>>[vector<16xi32>, vector<16xi32>], vector<16xf32>,
      %broadcast_in_dim3A_62 = arith.constant 7 : i32
      %broadcast_in_dim3A_63 = vector.broadcast %broadcast_in_dim3A_62 : i32 to vector<16xi32>
      tpu.vector_store_idx %arg5[%broadcast_in_dim3A_63, %add3A_47], %broadcast_in_dim3A_35 : memref<10x512xf32, #tpu.memory_space<vmem>>[vector<16xi32>, vector<16xi32>], vector<16xf32>,
      %broadcast_in_dim3A_64 = arith.constant 8 : i32
      %broadcast_in_dim3A_65 = vector.broadcast %broadcast_in_dim3A_64 : i32 to vector<16xi32>
      tpu.vector_store_idx %arg5[%broadcast_in_dim3A_65, %add3A_47], %broadcast_in_dim3A_35 : memref<10x512xf32, #tpu.memory_space<vmem>>[vector<16xi32>, vector<16xi32>], vector<16xf32>,
      %broadcast_in_dim3A_66 = arith.constant 9 : i32
      %broadcast_in_dim3A_67 = vector.broadcast %broadcast_in_dim3A_66 : i32 to vector<16xi32>
      tpu.vector_store_idx %arg5[%broadcast_in_dim3A_67, %add3A_47], %broadcast_in_dim3A_35 : memref<10x512xf32, #tpu.memory_space<vmem>>[vector<16xi32>, vector<16xi32>], vector<16xf32>,
      %mul3A_68 = arith.constant 16 : i32
      %mul3A_69 = arith.muli %scan3A_43, %mul3A_68 : i32
      %get3A = arith.index_cast %mul3A_69 : i32 to index
      %get3A_70 = tpu.vector_load %arg4[%get3A] {strides = array<i32>} : memref<512xi32, #tpu.memory_space<vmem>>, vector<16xi32>,
      %shift_right_arithmetic3A = arith.constant 0 : i32
      %shift_right_arithmetic3A_71 = vector.broadcast %shift_right_arithmetic3A : i32 to vector<16xi32>
      %shift_right_arithmetic3A_72 = arith.shrsi %get3A_70, %shift_right_arithmetic3A_71 : vector<16xi32>
      %and3A_73 = arith.constant 15 : i32
      %and3A_74 = vector.broadcast %and3A_73 : i32 to vector<16xi32>
      %and3A_75 = arith.andi %shift_right_arithmetic3A_72, %and3A_74 : vector<16xi32>
      tpu.vector_store_idx %arg5[%and3A_75, %add3A_47], %broadcast_in_dim3A_37 {add = true} : memref<10x512xf32, #tpu.memory_space<vmem>>[vector<16xi32>, vector<16xi32>], vector<16xf32>,
      %shift_right_arithmetic3A_76 = arith.constant 4 : i32
      %shift_right_arithmetic3A_77 = vector.broadcast %shift_right_arithmetic3A_76 : i32 to vector<16xi32>
      %shift_right_arithmetic3A_78 = arith.shrsi %get3A_70, %shift_right_arithmetic3A_77 : vector<16xi32>
      %and3A_79 = arith.constant 15 : i32
      %and3A_80 = vector.broadcast %and3A_79 : i32 to vector<16xi32>
      %and3A_81 = arith.andi %shift_right_arithmetic3A_78, %and3A_80 : vector<16xi32>
      tpu.vector_store_idx %arg5[%and3A_81, %add3A_47], %broadcast_in_dim3A_37 {add = true} : memref<10x512xf32, #tpu.memory_space<vmem>>[vector<16xi32>, vector<16xi32>], vector<16xf32>,
      %shift_right_arithmetic3A_82 = arith.constant 8 : i32
      %shift_right_arithmetic3A_83 = vector.broadcast %shift_right_arithmetic3A_82 : i32 to vector<16xi32>
      %shift_right_arithmetic3A_84 = arith.shrsi %get3A_70, %shift_right_arithmetic3A_83 : vector<16xi32>
      %and3A_85 = arith.constant 15 : i32
      %and3A_86 = vector.broadcast %and3A_85 : i32 to vector<16xi32>
      %and3A_87 = arith.andi %shift_right_arithmetic3A_84, %and3A_86 : vector<16xi32>
      tpu.vector_store_idx %arg5[%and3A_87, %add3A_47], %broadcast_in_dim3A_37 {add = true} : memref<10x512xf32, #tpu.memory_space<vmem>>[vector<16xi32>, vector<16xi32>], vector<16xf32>,
      %shift_right_arithmetic3A_88 = arith.constant 12 : i32
      %shift_right_arithmetic3A_89 = vector.broadcast %shift_right_arithmetic3A_88 : i32 to vector<16xi32>
      %shift_right_arithmetic3A_90 = arith.shrsi %get3A_70, %shift_right_arithmetic3A_89 : vector<16xi32>
      %and3A_91 = arith.constant 15 : i32
      %and3A_92 = vector.broadcast %and3A_91 : i32 to vector<16xi32>
      %and3A_93 = arith.andi %shift_right_arithmetic3A_90, %and3A_92 : vector<16xi32>
      tpu.vector_store_idx %arg5[%and3A_93, %add3A_47], %broadcast_in_dim3A_37 {add = true} : memref<10x512xf32, #tpu.memory_space<vmem>>[vector<16xi32>, vector<16xi32>], vector<16xf32>,
      %shift_right_arithmetic3A_94 = arith.constant 16 : i32
      %shift_right_arithmetic3A_95 = vector.broadcast %shift_right_arithmetic3A_94 : i32 to vector<16xi32>
      %shift_right_arithmetic3A_96 = arith.shrsi %get3A_70, %shift_right_arithmetic3A_95 : vector<16xi32>
      %and3A_97 = arith.constant 15 : i32
      %and3A_98 = vector.broadcast %and3A_97 : i32 to vector<16xi32>
      %and3A_99 = arith.andi %shift_right_arithmetic3A_96, %and3A_98 : vector<16xi32>
      tpu.vector_store_idx %arg5[%and3A_99, %add3A_47], %broadcast_in_dim3A_37 {add = true} : memref<10x512xf32, #tpu.memory_space<vmem>>[vector<16xi32>, vector<16xi32>], vector<16xf32>,
      %shift_right_arithmetic3A_100 = arith.constant 20 : i32
      %shift_right_arithmetic3A_101 = vector.broadcast %shift_right_arithmetic3A_100 : i32 to vector<16xi32>
      %shift_right_arithmetic3A_102 = arith.shrsi %get3A_70, %shift_right_arithmetic3A_101 : vector<16xi32>
      %and3A_103 = arith.constant 15 : i32
      %and3A_104 = vector.broadcast %and3A_103 : i32 to vector<16xi32>
      %and3A_105 = arith.andi %shift_right_arithmetic3A_102, %and3A_104 : vector<16xi32>
      tpu.vector_store_idx %arg5[%and3A_105, %add3A_47], %broadcast_in_dim3A_37 {add = true} : memref<10x512xf32, #tpu.memory_space<vmem>>[vector<16xi32>, vector<16xi32>], vector<16xf32>,
      %shift_right_arithmetic3A_106 = arith.constant 24 : i32
      %shift_right_arithmetic3A_107 = vector.broadcast %shift_right_arithmetic3A_106 : i32 to vector<16xi32>
      %shift_right_arithmetic3A_108 = arith.shrsi %get3A_70, %shift_right_arithmetic3A_107 : vector<16xi32>
      %and3A_109 = arith.constant 15 : i32
      %and3A_110 = vector.broadcast %and3A_109 : i32 to vector<16xi32>
      %and3A_111 = arith.andi %shift_right_arithmetic3A_108, %and3A_110 : vector<16xi32>
      tpu.vector_store_idx %arg5[%and3A_111, %add3A_47], %broadcast_in_dim3A_37 {add = true} : memref<10x512xf32, #tpu.memory_space<vmem>>[vector<16xi32>, vector<16xi32>], vector<16xf32>,
      %shift_right_arithmetic3A_112 = arith.constant 28 : i32
      %shift_right_arithmetic3A_113 = vector.broadcast %shift_right_arithmetic3A_112 : i32 to vector<16xi32>
      %shift_right_arithmetic3A_114 = arith.shrsi %get3A_70, %shift_right_arithmetic3A_113 : vector<16xi32>
      %and3A_115 = arith.constant 15 : i32
      %and3A_116 = vector.broadcast %and3A_115 : i32 to vector<16xi32>
      %and3A_117 = arith.andi %shift_right_arithmetic3A_114, %and3A_116 : vector<16xi32>
      tpu.vector_store_idx %arg5[%and3A_117, %add3A_47], %broadcast_in_dim3A_37 {add = true} : memref<10x512xf32, #tpu.memory_space<vmem>>[vector<16xi32>, vector<16xi32>], vector<16xf32>,
    }
    %scan3A_42 = arith.constant 32 : i32
    "tpu.region"() ({
      %run_scoped3A_43 = tpu.sem_alloc : memref<!tpu.dma_semaphore, #tpu.memory_space<semaphore_mem>>
      %dma_start3A = arith.constant 0 : i32
      %dma_start3A_44 = tpu.memref_slice %arg3[%dma_start3A, %mul3A_2] : memref<10x16384xf32, #tpu.memory_space<hbm>> -> memref<10x512xf32, #tpu.memory_space<hbm>>
      %dma_start3A_45 = arith.constant 0 : i32
      %dma_start3A_46 = tpu.memref_slice %arg3[%dma_start3A_45, %mul3A_2] : memref<10x16384xf32, #tpu.memory_space<hbm>> -> memref<10x512xf32, #tpu.memory_space<hbm>>
      tpu.enqueue_dma source(%arg5 : memref<10x512xf32, #tpu.memory_space<vmem>>) target(%dma_start3A_46 : memref<10x512xf32, #tpu.memory_space<hbm>>) target_semaphore(%run_scoped3A_43 : memref<!tpu.dma_semaphore, #tpu.memory_space<semaphore_mem>>)
      %dma_wait3A = arith.constant 0 : i32
      %dma_wait3A_47 = tpu.memref_slice %arg3[%dma_wait3A, %mul3A_2] : memref<10x16384xf32, #tpu.memory_space<hbm>> -> memref<10x512xf32, #tpu.memory_space<hbm>>
      %dma_wait3A_48 = arith.constant 0 : i32
      %dma_wait3A_49 = tpu.memref_slice %arg3[%dma_wait3A_48, %mul3A_2] : memref<10x16384xf32, #tpu.memory_space<hbm>> -> memref<10x512xf32, #tpu.memory_space<hbm>>
      tpu.wait_dma2 semaphore(%run_scoped3A_43 : memref<!tpu.dma_semaphore, #tpu.memory_space<semaphore_mem>>) src(%arg5 : memref<10x512xf32, #tpu.memory_space<vmem>>) dst(%dma_wait3A_49 : memref<10x512xf32, #tpu.memory_space<hbm>>)
      tpu.yield
    }) : () -> ()
    return
  }
}

module attributes {stable_mosaic.version = 14 : i64} {
  func.func @_votes_body(%arg0: i32, %arg1: memref<80x128xf32, #tpu.memory_space<vmem>>, %arg2: memref<8x10xf32, #tpu.memory_space<vmem>>, %arg3: memref<4096x128xf32, #tpu.memory_space<vmem>>, %arg4: memref<1x1x4096xi32, #tpu.memory_space<vmem>>) attributes {dimension_semantics = [#tpu.dimension_semantics<arbitrary>], iteration_bounds = array<i64: 4>, scalar_prefetch = 0 : i64, scratch_operands = 0 : i64, tpu.core_type = #tpu.core_type<tc>, window_params = [{pipeline_mode = #tpu.pipeline_mode<synchronous>, transform_indices = @transform_0, window_bounds = array<i64: 80, 128>}, {pipeline_mode = #tpu.pipeline_mode<synchronous>, transform_indices = @transform_1, window_bounds = array<i64: 8, 10>}, {transform_indices = @transform_2, window_bounds = array<i64: 4096, 128>}, {transform_indices = @transform_3, window_bounds = array<i64: 1, 1, 4096>}]} {
    %iota3A = tpu.iota {dimensions = array<i32: 0>} : vector<80x10xi32>
    %jit3A = arith.constant 8 : i32
    %div3A = vector.broadcast %jit3A : i32 to vector<80x10xi32>
    %div3A_0 = arith.divsi %iota3A, %div3A : vector<80x10xi32>
    %sign3A = arith.constant 0 : i32
    %sign3A_1 = vector.broadcast %sign3A : i32 to vector<80x10xi32>
    %sign3A_2 = arith.cmpi sgt, %iota3A, %sign3A_1 : vector<80x10xi32>
    %sign3A_3 = arith.extui %sign3A_2 : vector<80x10xi1> to vector<80x10xi32>
    %sign3A_4 = arith.constant 0 : i32
    %sign3A_5 = vector.broadcast %sign3A_4 : i32 to vector<80x10xi32>
    %sign3A_6 = arith.cmpi slt, %iota3A, %sign3A_5 : vector<80x10xi32>
    %sign3A_7 = arith.extui %sign3A_6 : vector<80x10xi1> to vector<80x10xi32>
    %sign3A_8 = arith.subi %sign3A_3, %sign3A_7 : vector<80x10xi32>
    %sign3A_9 = arith.constant 0 : i32
    %sign3A_10 = arith.cmpi sgt, %jit3A, %sign3A_9 : i32
    %sign3A_11 = arith.extui %sign3A_10 : i1 to i32
    %sign3A_12 = arith.constant 0 : i32
    %sign3A_13 = arith.cmpi slt, %jit3A, %sign3A_12 : i32
    %sign3A_14 = arith.extui %sign3A_13 : i1 to i32
    %sign3A_15 = arith.subi %sign3A_11, %sign3A_14 : i32
    %ne3A = vector.broadcast %sign3A_15 : i32 to vector<80x10xi32>
    %ne3A_16 = arith.cmpi ne, %sign3A_8, %ne3A : vector<80x10xi32>
    %rem3A = vector.broadcast %jit3A : i32 to vector<80x10xi32>
    %rem3A_17 = arith.remsi %iota3A, %rem3A : vector<80x10xi32>
    %ne3A_18 = arith.constant 0 : i32
    %ne3A_19 = vector.broadcast %ne3A_18 : i32 to vector<80x10xi32>
    %ne3A_20 = arith.cmpi ne, %rem3A_17, %ne3A_19 : vector<80x10xi32>
    %and3A = arith.andi %ne3A_16, %ne3A_20 : vector<80x10xi1>
    %sub3A = arith.constant 1 : i32
    %sub3A_21 = vector.broadcast %sub3A : i32 to vector<80x10xi32>
    %sub3A_22 = arith.subi %div3A_0, %sub3A_21 : vector<80x10xi32>
    %select_n3A = arith.select %and3A, %sub3A_22, %div3A_0 : vector<80x10xi1>, vector<80x10xi32>
    %iota3A_23 = tpu.iota {dimensions = array<i32: 1>} : vector<80x10xi32>
    %eq3A = arith.cmpi eq, %select_n3A, %iota3A_23 : vector<80x10xi32>
    %get3A = arith.constant 0 : index
    %get3A_24 = arith.constant 0 : index
    %get3A_25 = vector.load %arg2[%get3A, %get3A_24] : memref<8x10xf32, #tpu.memory_space<vmem>>, vector<8x10xf32>
    %concatenate3A = tpu.concatenate %get3A_25, %get3A_25, %get3A_25, %get3A_25, %get3A_25, %get3A_25, %get3A_25, %get3A_25, %get3A_25, %get3A_25 in 0 : vector<8x10xf32>, vector<8x10xf32>, vector<8x10xf32>, vector<8x10xf32>, vector<8x10xf32>, vector<8x10xf32>, vector<8x10xf32>, vector<8x10xf32>, vector<8x10xf32>, vector<8x10xf32> -> vector<80x10xf32>
    %jit3A_26 = arith.constant 0.000000e+00 : f32
    %broadcast_in_dim3A = vector.broadcast %jit3A_26 : f32 to vector<80x10xf32>
    %select_n3A_27 = arith.select %eq3A, %concatenate3A, %broadcast_in_dim3A : vector<80x10xi1>, vector<80x10xf32>
    %reduce_sum3A = arith.constant dense<0.000000e+00> : vector<80xf32>
    %reduce_sum3A_28 = vector.multi_reduction <add>, %select_n3A_27, %reduce_sum3A [1] : vector<80x10xf32> to vector<80xf32>
    %broadcast_in_dim3A_29 = vector.shape_cast %reduce_sum3A_28 : vector<80xf32> to vector<80x1xf32>
    %get3A_30 = arith.constant 0 : index
    %get3A_31 = arith.constant 0 : index
    %get3A_32 = vector.load %arg1[%get3A_30, %get3A_31] : memref<80x128xf32, #tpu.memory_space<vmem>>, vector<80x128xf32>
    %get3A_33 = arith.constant 0 : index
    %get3A_34 = arith.constant 0 : index
    %get3A_35 = vector.load %arg3[%get3A_33, %get3A_34] : memref<4096x128xf32, #tpu.memory_space<vmem>>, vector<4096x128xf32>
    %dot_general3A = arith.constant dense<0.000000e+00> : vector<80x4096xf32>
    %dot_general3A_36 = tpu.matmul %get3A_32, %get3A_35, %dot_general3A {dimension_numbers = #tpu.dot_dimension_numbers<[1], [1], [0], [0], [0, 0, 1, 0], [], []>, transpose_lhs_hint = false} : vector<80x128xf32>, vector<4096x128xf32>, vector<80x4096xf32> -> vector<80x4096xf32>
    %add3A = vector.broadcast %broadcast_in_dim3A_29 : vector<80x1xf32> to vector<80x4096xf32>
    %add3A_37 = arith.addf %dot_general3A_36, %add3A : vector<80x4096xf32>
    %iota3A_38 = tpu.iota {dimensions = array<i32: 0>} : vector<80x4096xi32>
    %shift_right_arithmetic3A = arith.constant 3 : i32
    %shift_right_arithmetic3A_39 = vector.broadcast %shift_right_arithmetic3A : i32 to vector<80x4096xi32>
    %shift_right_arithmetic3A_40 = arith.shrsi %iota3A_38, %shift_right_arithmetic3A_39 : vector<80x4096xi32>
    %roll3A = arith.constant 72 : i32
    %roll3A_41 = tpu.dynamic_rotate %add3A_37 by %roll3A dim 0 : vector<80x4096xf32>, i32 -> vector<80x4096xf32>
    %roll3A_42 = arith.constant 72 : i32
    %roll3A_43 = tpu.dynamic_rotate %shift_right_arithmetic3A_40 by %roll3A_42 dim 0 : vector<80x4096xi32>, i32 -> vector<80x4096xi32>
    %lt3A = arith.constant 9 : i32
    %lt3A_44 = vector.broadcast %lt3A : i32 to vector<80x4096xi32>
    %lt3A_45 = arith.cmpi slt, %shift_right_arithmetic3A_40, %lt3A_44 : vector<80x4096xi32>
    %gt3A = arith.cmpf ogt, %roll3A_41, %add3A_37 : vector<80x4096xf32>
    %and3A_46 = arith.andi %lt3A_45, %gt3A : vector<80x4096xi1>
    %select_n3A_47 = arith.select %and3A_46, %roll3A_41, %add3A_37 : vector<80x4096xi1>, vector<80x4096xf32>
    %select_n3A_48 = arith.select %and3A_46, %roll3A_43, %shift_right_arithmetic3A_40 : vector<80x4096xi1>, vector<80x4096xi32>
    %roll3A_49 = arith.constant 64 : i32
    %roll3A_50 = tpu.dynamic_rotate %select_n3A_47 by %roll3A_49 dim 0 : vector<80x4096xf32>, i32 -> vector<80x4096xf32>
    %roll3A_51 = arith.constant 64 : i32
    %roll3A_52 = tpu.dynamic_rotate %select_n3A_48 by %roll3A_51 dim 0 : vector<80x4096xi32>, i32 -> vector<80x4096xi32>
    %lt3A_53 = arith.constant 8 : i32
    %lt3A_54 = vector.broadcast %lt3A_53 : i32 to vector<80x4096xi32>
    %lt3A_55 = arith.cmpi slt, %shift_right_arithmetic3A_40, %lt3A_54 : vector<80x4096xi32>
    %gt3A_56 = arith.cmpf ogt, %roll3A_50, %select_n3A_47 : vector<80x4096xf32>
    %and3A_57 = arith.andi %lt3A_55, %gt3A_56 : vector<80x4096xi1>
    %select_n3A_58 = arith.select %and3A_57, %roll3A_50, %select_n3A_47 : vector<80x4096xi1>, vector<80x4096xf32>
    %select_n3A_59 = arith.select %and3A_57, %roll3A_52, %select_n3A_48 : vector<80x4096xi1>, vector<80x4096xi32>
    %roll3A_60 = arith.constant 48 : i32
    %roll3A_61 = tpu.dynamic_rotate %select_n3A_58 by %roll3A_60 dim 0 : vector<80x4096xf32>, i32 -> vector<80x4096xf32>
    %roll3A_62 = arith.constant 48 : i32
    %roll3A_63 = tpu.dynamic_rotate %select_n3A_59 by %roll3A_62 dim 0 : vector<80x4096xi32>, i32 -> vector<80x4096xi32>
    %lt3A_64 = arith.constant 6 : i32
    %lt3A_65 = vector.broadcast %lt3A_64 : i32 to vector<80x4096xi32>
    %lt3A_66 = arith.cmpi slt, %shift_right_arithmetic3A_40, %lt3A_65 : vector<80x4096xi32>
    %gt3A_67 = arith.cmpf ogt, %roll3A_61, %select_n3A_58 : vector<80x4096xf32>
    %and3A_68 = arith.andi %lt3A_66, %gt3A_67 : vector<80x4096xi1>
    %select_n3A_69 = arith.select %and3A_68, %roll3A_61, %select_n3A_58 : vector<80x4096xi1>, vector<80x4096xf32>
    %select_n3A_70 = arith.select %and3A_68, %roll3A_63, %select_n3A_59 : vector<80x4096xi1>, vector<80x4096xi32>
    %roll3A_71 = arith.constant 16 : i32
    %roll3A_72 = tpu.dynamic_rotate %select_n3A_69 by %roll3A_71 dim 0 : vector<80x4096xf32>, i32 -> vector<80x4096xf32>
    %roll3A_73 = arith.constant 16 : i32
    %roll3A_74 = tpu.dynamic_rotate %select_n3A_70 by %roll3A_73 dim 0 : vector<80x4096xi32>, i32 -> vector<80x4096xi32>
    %lt3A_75 = arith.constant 2 : i32
    %lt3A_76 = vector.broadcast %lt3A_75 : i32 to vector<80x4096xi32>
    %lt3A_77 = arith.cmpi slt, %shift_right_arithmetic3A_40, %lt3A_76 : vector<80x4096xi32>
    %gt3A_78 = arith.cmpf ogt, %roll3A_72, %select_n3A_69 : vector<80x4096xf32>
    %and3A_79 = arith.andi %lt3A_77, %gt3A_78 : vector<80x4096xi1>
    %select_n3A_80 = arith.select %and3A_79, %roll3A_74, %select_n3A_70 : vector<80x4096xi1>, vector<80x4096xi32>
    %eq3A_81 = arith.constant 0 : i32
    %eq3A_82 = vector.broadcast %eq3A_81 : i32 to vector<80x4096xi32>
    %eq3A_83 = arith.cmpi eq, %shift_right_arithmetic3A_40, %eq3A_82 : vector<80x4096xi32>
    %and3A_84 = arith.constant 7 : i32
    %and3A_85 = vector.broadcast %and3A_84 : i32 to vector<80x4096xi32>
    %and3A_86 = arith.andi %iota3A_38, %and3A_85 : vector<80x4096xi32>
    %mul3A = arith.constant 4 : i32
    %mul3A_87 = vector.broadcast %mul3A : i32 to vector<80x4096xi32>
    %mul3A_88 = arith.muli %and3A_86, %mul3A_87 : vector<80x4096xi32>
    %shift_left3A = arith.shli %select_n3A_80, %mul3A_88 : vector<80x4096xi32>
    %jit3A_89 = arith.constant 0 : i32
    %broadcast_in_dim3A_90 = vector.broadcast %jit3A_89 : i32 to vector<80x4096xi32>
    %select_n3A_91 = arith.select %eq3A_83, %shift_left3A, %broadcast_in_dim3A_90 : vector<80x4096xi1>, vector<80x4096xi32>
    %reduce_sum3A_92 = arith.constant dense<0> : vector<4096xi32>
    %reduce_sum3A_93 = vector.multi_reduction <add>, %select_n3A_91, %reduce_sum3A_92 [0] : vector<80x4096xi32> to vector<4096xi32>
    %broadcast_in_dim3A_94 = vector.shape_cast %reduce_sum3A_93 : vector<4096xi32> to vector<1x4096xi32>
    %broadcast_in_dim3A_95 = vector.shape_cast %broadcast_in_dim3A_94 : vector<1x4096xi32> to vector<1x1x4096xi32>
    %swap3A = arith.constant 0 : index
    %swap3A_96 = arith.constant 0 : index
    %swap3A_97 = arith.constant 0 : index
    %swap3A_98 = vector.load %arg4[%swap3A, %swap3A_96, %swap3A_97] : memref<1x1x4096xi32, #tpu.memory_space<vmem>>, vector<1x1x4096xi32>
    tpu.vector_store %arg4[%swap3A, %swap3A_96, %swap3A_97], %broadcast_in_dim3A_95 {strides = array<i32>} : memref<1x1x4096xi32, #tpu.memory_space<vmem>>, vector<1x1x4096xi32>,
    return
  }
  func.func @transform_0(%arg0: i32) -> (i32, i32) {
    %c0_i32 = arith.constant 0 : i32
    %c0_i32_0 = arith.constant 0 : i32
    %c0_i32_1 = arith.constant 0 : i32
    return %c0_i32, %c0_i32_0 : i32, i32
  }
  func.func @transform_1(%arg0: i32) -> (i32, i32) {
    %c0_i32 = arith.constant 0 : i32
    %c0_i32_0 = arith.constant 0 : i32
    %c0_i32_1 = arith.constant 0 : i32
    return %c0_i32, %c0_i32_0 : i32, i32
  }
  func.func @transform_2(%arg0: i32) -> (i32, i32) {
    %c0_i32 = arith.constant 0 : i32
    %c0_i32_0 = arith.constant 0 : i32
    return %arg0, %c0_i32 : i32, i32
  }
  func.func @transform_3(%arg0: i32) -> (i32, i32, i32) {
    %c0_i32 = arith.constant 0 : i32
    %c0_i32_0 = arith.constant 0 : i32
    %c0_i32_1 = arith.constant 0 : i32
    return %arg0, %c0_i32, %c0_i32_0 : i32, i32, i32
  }
}

</mosaic_0001>

<sc_bundles>
// kernel: kernel.4.cloned.1.call-start
scs
__scs_entry_jumppad:
0x0: {  	(pc) =	sbr.rel $0x88, $3  }
0x1: {  	(tag) =	ssettag $0x0;
	lr =	simm.s32 $0x1  }
0x2: {  	[smem:$0x3F9E] =	sst lr;
	_ =	strace $0xD0000000  }
0x3: {  	_ = 	snop  }
0x4: {  	_ = 	snop  }
0x5: {  	_ = 	snop  }
0x6: {  	_ = 	snop  }
0x7: {  	_ = 	snop  }
__scs_overlays_trampoline_lowered:
0x8: {  	[smem:$0x3FAD] =	sst s0  }
0x9: {  	[smem:$0x3FAE] =	sst s1  }
0xa: {  	[smem:$0x3FAF] =	sst s2  }
0xb: {  	[smem:$0x3FB0] =	sst s3  }
0xc: {  	[smem:$0x3FB1] =	sst s4  }
0xd: {  	[smem:$0x3FB2] =	sst s5  }
0xe: {  	[smem:$0x3FB3] =	sst s6  }
0xf: {  	[smem:$0x3FB4] =	sst s7  }
0x10: {  	[smem:$0x3FB5] =	sst s8  }
0x11: {  	[smem:$0x3FB6] =	sst s9;
	s0 =	simm.s32 @!p0 $0x0  }
0x12: {  	s1 =	sld [smem:$0x3F9C];
	s0 =	simm.s32 @p0 $0x1  }
0x13: {  	[smem:$0x3FB7] =	sst s0;
	s0 =	simm.s32 @!p1 $0x0  }
0x14: {  	s2 =	sld [smem:$0x3F9B];
	s0 =	simm.s32 @p1 $0x1  }
0x15: {  	[smem:$0x3FB8] =	sst s0;
	s0 =	simm.s32 @!p2 $0x0  }
0x16: {  	s3 =	sld [smem:$0x3FDB];
	s0 =	simm.s32 @p2 $0x1  }
0x17: {  	s4 =	simm.s32 $0x1BF5;
	[smem:$0x3FBA] =	sst s0  }
0x18: {  	s0 =	sld [smem:$0x3F9D];
	_ =	swait.ge [sflag:s4], $0x0  }
0x19: {  	s7 =	sld [smem:$0x3F9E]  }
0x1a: {  	s8 =	sadd.s32 $0xFFFFE003, lr  }
0x1b: {  	s9 =	sadd.s32 $0xFFFFFEF7, lr;
	s5 =	simm.s32 $0xFFFFFFFF;
	p2 =	slt.u32 s8, $0xFFFFF086  }
0x1c: {  	p1 =	slt.u32 s9, $0xF7A;
	s5 =	simm.s32 @!p2 $0x0  }
0x1d: {  	s5 =	simm.s32 @p1 $0x1;
	p0 =	seq.s32 s7, s2  }
0x1e: {  	s7 =	smul.u32 @!p0 $0xF7A, s2;
	p2 =	seq.s32 @!p0 s5, $0x0  }
0x1f: {  	s9 =	smul.u32 $0xF7A, s1;
	s8 =	simm.s32 @!p0 $0x1BF5;
	p2 =	por !p2, p0  }
0x20: {  	[sflag:s8] =	ssyncset.s32 @!p0 $0xFFFFF086;
	s6 =	sadd.s32 @!p0 s3, s7;
	s7 =	simm.s32 @!p0 $0x108  }
0x21: {  	s3 =	sadd.s32 s3, s9;
	s6 =	sadd.s32 @!p0 $0x88, s6;
	s7 =	simm.s32 @p2 $0x1082  }
0x22: {  	[simem:s7], [sflag:s8] =	dma.local @!p0 [hbm:s6], $0xF7A  }
0x23: {  	s9 =	sor.u32 $0xD0000000, s2;
	s6 =	simm.s32 $0x108;
	_ =	swait.ge @!p0 [sflag:s8], $0x0  }
0x24: {  	s3 =	sadd.s32 $0x88, s3;
	s6 =	simm.s32 @!p1 $0x1082;
	[sflag:s4] =	ssyncset.s32 $0xFFFFF086  }
0x25: {  	[simem:s6], [sflag:s4] =	dma.local [hbm:s3], $0xF7A  }
0x26: {  	[smem:$0x3F9E] =	sst s1;
	(tag) =	ssettag s2;
	_ =	strace s9  }
0x27: {  	s1 =	sld [smem:$0x3FAE]  }
0x28: {  	s2 =	sld [smem:$0x3FAF]  }
0x29: {  	s4 =	sld [smem:$0x3FB1]  }
0x2a: {  	p0 =	seq.s32 s5, $0x0;
	s5 =	sld [smem:$0x3FB2]  }
0x2b: {  	s6 =	sld [smem:$0x3FB3]  }
0x2c: {  	s7 =	sld [smem:$0x3FB4]  }
0x2d: {  	s3 =	simm.s32 $0x108;
	s8 =	sld [smem:$0x3FB5]  }
0x2e: {  	s3 =	simm.s32 @!p0 $0x1082;
	s9 =	sld [smem:$0x3FB6]  }
0x2f: {  	lr =	sadd.s32 s0, s3;
	s0 =	sld [smem:$0x3FAD]  }
0x30: {  	s3 =	sld [smem:$0x3FB0]  }
0x31: {  	[smem:$0x3FB9] =	sst s10  }
0x32: {  	s10 =	sld [smem:$0x3FB7];
	_ =	sdelay $0x3  }
0x33: {  	p0 =	seq.s32 s10, $0x1;
	s10 =	sld [smem:$0x3FB9];
	_ =	sdelay $0x3  }
0x34: {  	[smem:$0x3FB9] =	sst s10  }
0x35: {  	s10 =	sld [smem:$0x3FB8];
	_ =	sdelay $0x3  }
0x36: {  	p1 =	seq.s32 s10, $0x1;
	s10 =	sld [smem:$0x3FB9];
	_ =	sdelay $0x3  }
0x37: {  	[smem:$0x3FB9] =	sst s10  }
0x38: {  	s10 =	sld [smem:$0x3FBA]  }
0x39: {  	_ = 	snop;
	(pc) =	sbr.ind lr, $3  }
0x3a: {  	_ = 	snop  }
0x3b: {  	_ = 	snop  }
0x3c: {  	p2 =	seq.s32 s10, $0x1;
	s10 =	sld [smem:$0x3FB9]  }
0x3d: {  	_ =	shalt  }
0x3e: {  	_ =	shalt  }
0x3f: {  	_ =	shalt  }
0x40: {  	_ =	shalt  }
0x41: {  	_ =	shalt  }
0x42: {  	_ =	shalt  }
0x43: {  	_ =	shalt  }
0x44: {  	_ =	shalt  }
0x45: {  	_ =	shalt  }
0x46: {  	_ =	shalt  }
0x47: {  	_ =	shalt  }
0x48: {  	_ =	shalt  }
0x49: {  	_ =	shalt  }
0x4a: {  	_ =	shalt  }
0x4b: {  	_ =	shalt  }
0x4c: {  	_ =	shalt  }
0x4d: {  	_ =	shalt  }
0x4e: {  	_ =	shalt  }
0x4f: {  	_ =	shalt  }
0x50: {  	_ =	shalt  }
0x51: {  	_ =	shalt  }
0x52: {  	_ =	shalt  }
0x53: {  	_ =	shalt  }
0x54: {  	_ =	shalt  }
0x55: {  	_ =	shalt  }
0x56: {  	_ =	shalt  }
0x57: {  	_ =	shalt  }
0x58: {  	_ =	shalt  }
0x59: {  	_ =	shalt  }
0x5a: {  	_ =	shalt  }
0x5b: {  	_ =	shalt  }
0x5c: {  	_ =	shalt  }
0x5d: {  	_ =	shalt  }
0x5e: {  	_ =	shalt  }
0x5f: {  	_ =	shalt  }
0x60: {  	_ =	shalt  }
0x61: {  	_ =	shalt  }
0x62: {  	_ =	shalt  }
0x63: {  	_ =	shalt  }
0x64: {  	_ =	shalt  }
0x65: {  	_ =	shalt  }
0x66: {  	_ =	shalt  }
0x67: {  	_ =	shalt  }
0x68: {  	_ =	shalt  }
0x69: {  	_ =	shalt  }
0x6a: {  	_ =	shalt  }
0x6b: {  	_ =	shalt  }
0x6c: {  	_ =	shalt  }
0x6d: {  	_ =	shalt  }
0x6e: {  	_ =	shalt  }
0x6f: {  	_ =	shalt  }
0x70: {  	_ =	shalt  }
0x71: {  	_ =	shalt  }
0x72: {  	_ =	shalt  }
0x73: {  	_ =	shalt  }
0x74: {  	_ =	shalt  }
0x75: {  	_ =	shalt  }
0x76: {  	_ =	shalt  }
0x77: {  	_ =	shalt  }
0x78: {  	_ =	shalt  }
0x79: {  	_ =	shalt  }
0x7a: {  	_ =	shalt  }
0x7b: {  	_ =	shalt  }
0x7c: {  	_ =	shalt  }
0x7d: {  	_ =	shalt  }
0x7e: {  	_ =	shalt  }
0x7f: {  	_ =	shalt  }
0x80: {  	_ =	shalt  }
0x81: {  	_ =	shalt  }
0x82: {  	_ =	shalt  }
0x83: {  	_ =	shalt  }
0x84: {  	_ =	shalt  }
0x85: {  	_ =	shalt  }
0x86: {  	_ =	shalt  }
0x87: {  	_ =	shalt  }
.Lfunc_end0:
.L_simem_size_0:
called_computation_lowered:
.L_overlay_start_0:
0x88: {  	s2 =	sld [smem:$0x3FD9]  }
0x89: {  	s3 =	sld [smem:$0x3FFE];
	_ =	sdelay $0x1  }
0x8a: {  	s1 =	srdreg.scid  }
0x8b: {  	s0 =	sand.u32 $0x1, s1  }
0x8c: {  	s17 =	sshll.u32 s0, $0xA;
	s2 =	sadd.s32 s3, s2  }
0x8d: {  	s2 =	sadd.s32 s2, s17  }
0x8e: {  	[smem:$0x3FC5] =	sst s2  }
0x8f: {  	_ = 	snop  }
0x90: {  	s2 =	sld [smem:$0x3FD0];
	(tm) =	ssettm $0x1  }
0x91: {  	s18 =	sld [smem:$0x3FFB];
	_ =	sdelay $0x3  }
0x92: {  	_ =	strace s18  }
0x93: {  	s3 =	sld [smem:$0x3FFC];
	_ =	sdelay $0x3  }
0x94: {  	_ =	strace s3  }
0x95: {  	s3 =	sld [smem:$0x3FFD];
	_ =	sdelay $0x3  }
0x96: {  	_ =	strace s3  }
0x97: {  	_ =	strace $0x8FFFFFFF  }
0x98: {  	s19 =	sld [smem:$0x3FDB];
	_ =	sdelay $0x1  }
0x99: {  	s4 =	simm.s32 $_scs_section_size  }
0x9a: {  	s5 =	simm.s32 $_size__tile_overlayer_lowered;
	s6 =	simm.s32 $_tile_overlayer_lowered  }
0x9b: {  	s22 =	simm.s32 $0x1BFF;
	s21 =	sshll.u32 s6, $0x1;
	s3 =	sadd.s32 s4, s19  }
0x9c: {  	s7 =	simm.s32 $0x0;
	s20 =	sshll.u32 s5, $0x1;
	s5 =	sadd.s32 s21, s3  }
0x9d: {  	[timem:s7], [sflag:s22] =	dma.local [hbm:s5], s20  }
0x9e: {  	_ =	swait.ge [sflag:s22], s20  }
0x9f: {  	s4 =	ssub.s32 $0x0, s20;
	[sflag:s22] =	ssyncset.done $0x0  }
0xa0: {  	[sflag:s22] =	ssyncadd.s32 s4;
	_ =	sdelay $0x1  }
0xa1: {  	s23 =	simm.s32 $0x1B8B  }
0xa2: {  	_ =	swait.ge [sflag:s23], $0x1  }
0xa3: {  	[sflag:s23] =	ssyncset.done $0x0  }
0xa4: {  	s25 =	simm.s32 $0x1B8E;
	s24 =	sld [smem:$0x3FFE];
	[sflag:s23] =	ssyncadd.s32 $0xFFFFFFFF  }
0xa5: {  	s26 =	simm.s32 $execute0_lowered;
	[smem:$0x3FD2] =	sst s25  }
0xa6: {  	s5 =	sshll.u32 s26, $0x1;
	_ =	strace $0x80000046;
	[dreg:$0x1] =	wrdreg $0xFFFFFFFF  }
0xa7: {  	s28 =	simm.s32 $_size_execute0_lowered;
	s3 =	sadd.s32 s3, s5;
	[dreg:$0x0] =	wrdreg $0x0  }
0xa8: {  	s5 =	sshll.u32 s28, $0x1;
	[dreg:$0x2] =	wrdreg s3  }
0xa9: {  	[dreg:$0x3] =	wrdreg s5  }
0xaa: {  	[dreg:$0x4] =	wrdreg $0xC0  }
0xab: {  	_ =	task [dreg:s7], $0x5FFFF  }
0xac: {  	[dreg:$0x1] =	wrdreg $0xFFFFFFFF  }
0xad: {  	[dreg:$0x0] =	wrdreg $0x60  }
0xae: {  	[dreg:$0x2] =	wrdreg s24  }
0xaf: {  	[dreg:$0x3] =	wrdreg s2  }
0xb0: {  	[dreg:$0x4] =	wrdreg $0x9  }
0xb1: {  	_ =	task.clear_ibuf [dreg:s7], $0x5FFFF;
	_ =	strace $0x90000046  }
0xb2: {  	s29 =	simm.s32 $0x9;
	_ =	strace $0x80000048  }
0xb3: {  	_ =	swait.ge [sflag:s29], $0x1  }
0xb4: {  	[sflag:s29] =	ssyncadd.s32 $0xFFFFFFFF  }
0xb5: {  	_ =	strace $0x90000048  }
0xb6: {  	_ =	sfence  }
0xb7: {  	s30 =	sld [smem:$0x0];
	_ =	sdelay $0x2  }
0xb8: {  	s31 =	sshll.u32 s1, $0xD;
	s1 =	sshrl.u32 s1, $0x2  }
0xb9: {  	s3 =	sand.u32 $0x4000, s31;
	s1 =	sadd.s32 s1, s30  }
0xba: {  	s0 =	sor.u32 s3, s0;
	s1 =	sshll.u32 s1, $0x11  }
0xbb: {  	s0 =	sor.u32 s1, s0  }
0xbc: {  	s0 =	sadd.s32 $0x8F2B, s0  }
0xbd: {  	[sflag:s0] =	ssyncadd.remote.s32 $0x1  }
0xbe: {  	_ =	sfence.sel $0xFFFF  }
0xbf: {  	[dreg:$0x0] =	wrdreg $0xFFFFFFFF;
	(pc) =	sbr.abs _section_cstart, $3  }
0xc0: {  	[dreg:$0x1] =	wrdreg $0xFFFFFFFF  }
0xc1: {  	_ =	task.clear_ibuf [dreg:s7], $0x2FFFF;
	_ =	strace $0x9FFFFFFF  }
0xc2: {  	(tm) =	ssettm $0x7FFFFFFF  }
0xc3: {  	_ =	shalt  }
tec
execute0_lowered:
.L_overlay_start_1:
0x0: {  	(tag) =	ssettag $0x1  }
0x1: {  	s3 =	rddreg [dreg:$0x0]  }
0x2: {  	s4 =	rddreg [dreg:$0x1]  }
0x3: {  	s0 =	rddreg [dreg:$0x2]  }
0x4: {  	s1 =	stileid.u32;
	s5 =	srdreg.scid  }
0x5: {  	s2 =	simm.s32 $0x0;
	s9 =	simm.s32 $0x20000;
	s10 =	simm.s32 $0x0  }
0x6: {  	s5 =	sand.u32 $0x1, s5;
	s6 =	sshll.u32 s1, $0x1;
	[smem:$0x7FF] =	sst s2  }
0x7: {  	s7 =	sshll.u32 s1, $0x7;
	s6 =	sor.u32 s5, s6;
	_ =	strace $0x80000047  }
0x8: {  	s7 =	sand.u32 $0x600, s7;
	s5 =	ssub.s32 $0x2, s5;
	s8 =	sshll.u32 s6, $0x6  }
0x9: {  	s3 =	sadd.s32 s7, s3;
	s31 =	sshrl.u32 s5, $0x1;
	s6 =	sshll.u32 s6, $0x9  }
0xa: {  	s7 =	simm.s32 $0x200;
	s30 =	sand.u32 $0x1C0, s8;
	s5 =	ssub.s32 s5, s31  }
0xb: {  	s4 =	sadd.s32 s4, s6;
	s6 =	simm.s32 $0x1;
	s3 =	sadd.s32 s30, s3  }
0xc: {  	v0 =	vlaneseq.u32;
	v1 =	vimm.f32 $0.0e+00;
	v2 =	vimm.f32 $1.000000000e+00;
	s8 =	simm.s32 $0x1000;
	s5 =	smax.u32 s5, $0x1;
	s3 =	sadd.s32 $0xC00, s3  }
.LBB2_1:
0xd: {  	v3 =	vmov s2  }
0xe: {  	v4 =	vor.u32 s2, v0;
	v5 =	vshll.u32 v3, $0x3  }
0xf: {  	v4 =	vand.u32 $0x7F, v4;
	v3 =	vand.u32 $0xC00, v5  }
0x10: {  	v3 =	vor.u32 v4, v3  }
0x11: {  	[tilespmem:s2], [sflag:$0x1] =	stream.linear.gather [hbm4b:s3+s2], $0x200, $0x38;
	v12 =	vor.u32 $0x80, v3;
	[tilespmem:$0x2200] =	vst v63  }
0x12: {  	_ =	swait.ge [sflag:s6], $0x200  }
0x13: {  	[sflag:s6] =	ssyncset.done $0x0;
	v11 =	vor.u32 $0x100, v3  }
0x14: {  	v7 =	vor.u32 v4, v5;
	[sflag:s6] =	ssyncadd.s32 $0xFFFFFE00;
	v4 =	vor.u32 $0x180, v3  }
0x15: {  	s12 =	simm.s32 $0x10;
	v10 =	vor.u32 $0x380, v7;
	v5 =	vor.u32 $0x200, v3;
	v6 =	vor.u32 $0x280, v3;
	[tilespmem:v3+s7+$0x0] =	vst.idx.msk $0xffff, v1  }
0x16: {  	s14 =	simm.s32 $0x20;
	s11 =	simm.s32 $0x0;
	s13 =	simm.s32 $0x0;
	v8 =	vor.u32 $0x300, v3;
	v9 =	vor.u32 $0x1000, v3;
	v7 =	vor.u32 $0x1080, v3;
	[tilespmem:v12+s7+$0x0] =	vst.idx.msk $0xffff, v1  }
.LBB2_2:
0x17: {  	p0 =	sne.s32 s14, $0x1F0  }
0x18: {  	v12 =	vmov s12;
	v13 =	vor.u32 s12, v0;
	[tilespmem:v11+s7+$0x0] =	vst.idx.msk $0xffff, v1;
	s11 =	sadd.s32 $0x10, s11;
	s12 =	smov.u32 s14;
	s14 =	sadd.s32 $0x10, s14  }
0x19: {  	v11 =	vand.u32 $0x7F, v13;
	v12 =	vshll.u32 v12, $0x3;
	[tilespmem:v4+s7+$0x0] =	vst.idx.msk $0xffff, v1  }
0x1a: {  	v4 =	vand.u32 $0xC00, v12;
	v12 =	vor.u32 v11, v12;
	[tilespmem:v5+s7+$0x0] =	vst.idx.msk $0xffff, v1  }
0x1b: {  	v13 =	vor.u32 v11, v4;
	[tilespmem:v6+s7+$0x0] =	vst.idx.msk $0xffff, v1  }
0x1c: {  	v14 =	vor.u32 $0x80, v13;
	[tilespmem:v8+s7+$0x0] =	vst.idx.msk $0xffff, v1  }
0x1d: {  	v11 =	vor.u32 $0x100, v13;
	[tilespmem:v10+s7+$0x0] =	vst.idx.msk $0xffff, v1  }
0x1e: {  	v4 =	vor.u32 $0x180, v13;
	[tilespmem:v9+s7+$0x0] =	vst.idx.msk $0xffff, v1  }
0x1f: {  	v5 =	vor.u32 $0x200, v13;
	[tilespmem:v7+s7+$0x0] =	vst.idx.msk $0xffff, v1  }
0x20: {  	v6 =	vor.u32 $0x280, v13;
	v15 =	vld [tilespmem:s13+$0x0];
	s13 =	smov.u32 s11  }
0x21: {  	v8 =	vor.u32 $0x300, v13  }
0x22: {  	v10 =	vor.u32 $0x380, v12  }
0x23: {  	v9 =	vor.u32 $0x1000, v13  }
0x24: {  	v7 =	vor.u32 $0x1080, v13  }
0x25: {  	v12 =	vshll.u32 v15, $0x9;
	v16 =	vshrl.u32 v15, $0x1;
	v17 =	vshrl.u32 v15, $0x3  }
0x26: {  	v18 =	vshll.u32 v15, $0x7;
	v12 =	vand.u32 $0x1000, v12;
	v16 =	vand.u32 $0x380, v16  }
0x27: {  	v19 =	vshll.u32 v15, $0x3;
	v20 =	vshrl.u32 v15, $0x7;
	v21 =	vshrl.u32 v15, $0x9  }
0x28: {  	v22 =	vshrl.u32 v15, $0xD;
	v20 =	vand.u32 $0x1000, v20;
	v21 =	vand.u32 $0x380, v21  }
0x29: {  	v23 =	vshll.u32 v15, $0x1;
	v19 =	vand.u32 $0x380, v19;
	v20 =	vor.u32 v20, v21  }
0x2a: {  	v24 =	vshrl.u32 v15, $0x5;
	v21 =	vshll.u32 v15, $0x5;
	v20 =	vor.u32 v20, v3  }
0x2b: {  	v25 =	vshrl.u32 v15, $0xB;
	v23 =	vand.u32 $0x1000, v23;
	v17 =	vand.u32 $0x1000, v17  }
0x2c: {  	v18 =	vand.u32 $0x380, v18;
	v24 =	vand.u32 $0x380, v24;
	v21 =	vand.u32 $0x1000, v21  }
0x2d: {  	v16 =	vor.u32 v23, v16;
	v17 =	vor.u32 v17, v24;
	v19 =	vor.u32 v21, v19  }
0x2e: {  	v12 =	vor.u32 v12, v18;
	v16 =	vor.u32 v16, v3;
	v18 =	vor.u32 v19, v3  }
0x2f: {  	v12 =	vor.u32 v12, v3;
	v21 =	vand.u32 $0x380, v22;
	v19 =	vand.u32 $0x1000, v25  }
0x30: {  	v17 =	vor.u32 v17, v3;
	v19 =	vor.u32 v19, v21;
	v21 =	vshrl.u32 v15, $0xF  }
0x31: {  	v22 =	vshrl.u32 v15, $0x11;
	v19 =	vor.u32 v19, v3;
	v21 =	vand.u32 $0x1000, v21  }
0x32: {  	v23 =	vshrl.u32 v15, $0x13;
	v22 =	vand.u32 $0x380, v22;
	v15 =	vshrl.u32 v15, $0x15  }
0x33: {  	v15 =	vand.u32 $0x380, v15;
	v21 =	vor.u32 v21, v22;
	v22 =	vand.u32 $0x1000, v23  }
0x34: {  	v15 =	vor.u32 v22, v15;
	[tilespmem:v12+s7+$0x0] =	vst.idx.add.f32.msk $0xffff, v2;
	v12 =	vor.u32 v21, v3  }
0x35: {  	v15 =	vor.u32 v15, v3;
	v3 =	vmov v13;
	[tilespmem:v18+s7+$0x0] =	vst.idx.add.f32.msk $0xffff, v2  }
0x36: {  	[tilespmem:v16+s7+$0x0] =	vst.idx.add.f32.msk $0xffff, v2  }
0x37: {  	[tilespmem:v17+s7+$0x0] =	vst.idx.add.f32.msk $0xffff, v2  }
0x38: {  	[tilespmem:v20+s7+$0x0] =	vst.idx.add.f32.msk $0xffff, v2  }
.Ltmp0:
0x39: {  	[tilespmem:v19+s7+$0x0] =	vst.idx.add.f32.msk $0xffff, v2;
	(pc) =	sbr.rel @p0 .LBB2_2-.Ltmp0, $4  }
0x3a: {  	[tilespmem:v12+s7+$0x0] =	vst.idx.add.f32.msk $0xffff, v2  }
0x3b: {  	[tilespmem:v15+s7+$0x0] =	vst.idx.add.f32.msk $0xffff, v2  }
0x3c: {  	[tilespmem:v13+s7+$0x0] =	vst.idx.msk $0xffff, v1  }
0x3d: {  	[tilespmem:v14+s7+$0x0] =	vst.idx.msk $0xffff, v1  }
0x3e: {  	_ =	sdelay $0x3  }
0x3f: {  	[tilespmem:v11+s7+$0x0] =	vst.idx.msk $0xffff, v1  }
0x40: {  	[tilespmem:v4+s7+$0x0] =	vst.idx.msk $0xffff, v1  }
0x41: {  	[tilespmem:v5+s7+$0x0] =	vst.idx.msk $0xffff, v1  }
0x42: {  	[tilespmem:v6+s7+$0x0] =	vst.idx.msk $0xffff, v1  }
0x43: {  	[tilespmem:v8+s7+$0x0] =	vst.idx.msk $0xffff, v1  }
0x44: {  	[tilespmem:v10+s7+$0x0] =	vst.idx.msk $0xffff, v1  }
0x45: {  	[tilespmem:v9+s7+$0x0] =	vst.idx.msk $0xffff, v1  }
0x46: {  	[tilespmem:v7+s7+$0x0] =	vst.idx.msk $0xffff, v1  }
0x47: {  	v4 =	vld [tilespmem:s13+$0x0];
	_ =	sdelay $0x3  }
0x48: {  	v20 =	vmov s12;
	v21 =	vor.u32 s12, v0  }
0x49: {  	v22 =	vshll.u32 v4, $0x9;
	v23 =	vshrl.u32 v4, $0x1;
	v24 =	vshrl.u32 v4, $0x3  }
0x4a: {  	v25 =	vshll.u32 v4, $0x7;
	v26 =	vshll.u32 v4, $0x3;
	v12 =	vshrl.u32 v4, $0x7  }
0x4b: {  	v13 =	vshrl.u32 v4, $0x9;
	v14 =	vshrl.u32 v4, $0xD;
	v15 =	vshll.u32 v4, $0x1  }
0x4c: {  	v27 =	vshll.u32 v4, $0x5;
	v16 =	vshrl.u32 v4, $0x5;
	v17 =	vshrl.u32 v4, $0xB  }
0x4d: {  	v31 =	vshrl.u32 v4, $0xF;
	v32 =	vshrl.u32 v4, $0x11;
	v33 =	vshrl.u32 v4, $0x13  }
0x4e: {  	v4 =	vshrl.u32 v4, $0x15;
	v7 =	vand.u32 $0x1000, v22;
	v8 =	vand.u32 $0x380, v23  }
0x4f: {  	v12 =	vand.u32 $0x1000, v12;
	v13 =	vand.u32 $0x380, v13;
	v11 =	vand.u32 $0x380, v26  }
0x50: {  	v15 =	vand.u32 $0x1000, v15;
	v9 =	vand.u32 $0x1000, v24;
	v10 =	vand.u32 $0x380, v25  }
0x51: {  	v12 =	vor.u32 v12, v13;
	v13 =	vand.u32 $0x1000, v27;
	v7 =	vor.u32 v7, v10  }
0x52: {  	v16 =	vand.u32 $0x380, v16;
	v11 =	vor.u32 v13, v11;
	v7 =	vor.u32 v7, v3  }
0x53: {  	v29 =	vand.u32 $0x1000, v17;
	v8 =	vor.u32 v15, v8;
	v28 =	vor.u32 v11, v3  }
0x54: {  	v30 =	vand.u32 $0x380, v14;
	v9 =	vor.u32 v9, v16;
	v8 =	vor.u32 v8, v3  }
0x55: {  	v14 =	vand.u32 $0x380, v32;
	v34 =	vand.u32 $0x1000, v33;
	v9 =	vor.u32 v9, v3  }
0x56: {  	v12 =	vor.u32 v12, v3;
	v13 =	vand.u32 $0x1000, v31;
	v11 =	vor.u32 v29, v30  }
0x57: {  	v4 =	vand.u32 $0x380, v4;
	v13 =	vor.u32 v13, v14;
	v11 =	vor.u32 v11, v3;
	[tilespmem:v7+s7+$0x0] =	vst.idx.add.f32.msk $0xffff, v2  }
0x58: {  	v5 =	vshll.u32 v20, $0x3;
	v4 =	vor.u32 v34, v4;
	v35 =	vor.u32 v13, v3;
	[tilespmem:v28+s7+$0x0] =	vst.idx.add.f32.msk $0xffff, v2  }
0x59: {  	v6 =	vand.u32 $0x7F, v21;
	v36 =	vand.u32 $0xC00, v5;
	v3 =	vor.u32 v4, v3;
	[tilespmem:v8+s7+$0x0] =	vst.idx.add.f32.msk $0xffff, v2  }
0x5a: {  	v37 =	vor.u32 v6, v36;
	[tilespmem:v9+s7+$0x0] =	vst.idx.add.f32.msk $0xffff, v2  }
0x5b: {  	v38 =	vor.u32 $0x80, v37;
	[tilespmem:v12+s7+$0x0] =	vst.idx.add.f32.msk $0xffff, v2  }
0x5c: {  	v39 =	vor.u32 $0x100, v37;
	[tilespmem:v11+s7+$0x0] =	vst.idx.add.f32.msk $0xffff, v2  }
0x5d: {  	v10 =	vor.u32 $0x180, v37;
	[tilespmem:v35+s7+$0x0] =	vst.idx.add.f32.msk $0xffff, v2  }
0x5e: {  	v40 =	vor.u32 $0x200, v37;
	[tilespmem:v3+s7+$0x0] =	vst.idx.add.f32.msk $0xffff, v2  }
0x5f: {  	v3 =	vor.u32 $0x280, v37;
	[tilespmem:v37+s7+$0x0] =	vst.idx.msk $0xffff, v1  }
0x60: {  	v5 =	vor.u32 v6, v5;
	v41 =	vor.u32 $0x300, v37;
	[tilespmem:v38+s7+$0x0] =	vst.idx.msk $0xffff, v1  }
0x61: {  	v5 =	vor.u32 $0x380, v5;
	[tilespmem:v39+s7+$0x0] =	vst.idx.msk $0xffff, v1  }
0x62: {  	v42 =	vor.u32 $0x1000, v37;
	[tilespmem:v10+s7+$0x0] =	vst.idx.msk $0xffff, v1  }
0x63: {  	v43 =	vor.u32 $0x1080, v37;
	[tilespmem:v40+s7+$0x0] =	vst.idx.msk $0xffff, v1  }
0x64: {  	[tilespmem:v3+s7+$0x0] =	vst.idx.msk $0xffff, v1  }
0x65: {  	[tilespmem:v41+s7+$0x0] =	vst.idx.msk $0xffff, v1  }
0x66: {  	[tilespmem:v5+s7+$0x0] =	vst.idx.msk $0xffff, v1  }
0x67: {  	[tilespmem:v42+s7+$0x0] =	vst.idx.msk $0xffff, v1  }
0x68: {  	s11 =	sadd.s32 $0x10, s11;
	[tilespmem:v43+s7+$0x0] =	vst.idx.msk $0xffff, v1  }
0x69: {  	v3 =	vld [tilespmem:s11+$0x0];
	_ =	sdelay $0x4  }
0x6a: {  	v44 =	vshll.u32 v3, $0x9;
	v45 =	vshrl.u32 v3, $0x1;
	v46 =	vshrl.u32 v3, $0x3  }
0x6b: {  	v47 =	vshll.u32 v3, $0x7;
	v48 =	vshll.u32 v3, $0x3;
	v49 =	vshrl.u32 v3, $0x7  }
0x6c: {  	v50 =	vshrl.u32 v3, $0x9;
	v51 =	vshrl.u32 v3, $0xD;
	v52 =	vshll.u32 v3, $0x1  }
0x6d: {  	v53 =	vshll.u32 v3, $0x5;
	v54 =	vshrl.u32 v3, $0x5;
	v55 =	vshrl.u32 v3, $0xB  }
0x6e: {  	v59 =	vshrl.u32 v3, $0xF;
	v60 =	vshrl.u32 v3, $0x11;
	v61 =	vshrl.u32 v3, $0x13  }
0x6f: {  	v3 =	vshrl.u32 v3, $0x15;
	v5 =	vand.u32 $0x1000, v44;
	v6 =	vand.u32 $0x380, v45  }
0x70: {  	v10 =	vand.u32 $0x1000, v49;
	v11 =	vand.u32 $0x380, v50;
	v9 =	vand.u32 $0x380, v48  }
0x71: {  	v13 =	vand.u32 $0x1000, v52;
	v7 =	vand.u32 $0x1000, v46;
	v8 =	vand.u32 $0x380, v47  }
0x72: {  	v10 =	vor.u32 v10, v11;
	v11 =	vand.u32 $0x1000, v53;
	v5 =	vor.u32 v5, v8  }
0x73: {  	v14 =	vand.u32 $0x380, v54;
	v9 =	vor.u32 v11, v9;
	v5 =	vor.u32 v5, v37  }
0x74: {  	v57 =	vand.u32 $0x1000, v55;
	v6 =	vor.u32 v13, v6;
	v56 =	vor.u32 v9, v37  }
0x75: {  	v58 =	vand.u32 $0x380, v51;
	v7 =	vor.u32 v7, v14;
	v6 =	vor.u32 v6, v37  }
0x76: {  	v12 =	vand.u32 $0x380, v60;
	v62 =	vand.u32 $0x1000, v61;
	v7 =	vor.u32 v7, v37  }
0x77: {  	v10 =	vor.u32 v10, v37;
	v11 =	vand.u32 $0x1000, v59;
	v9 =	vor.u32 v57, v58  }
0x78: {  	v3 =	vand.u32 $0x380, v3;
	v11 =	vor.u32 v11, v12;
	v9 =	vor.u32 v9, v37;
	[tilespmem:v5+s7+$0x0] =	vst.idx.add.f32.msk $0xffff, v2  }
0x79: {  	v3 =	vor.u32 v62, v3;
	v63 =	vor.u32 v11, v37;
	[tilespmem:v56+s7+$0x0] =	vst.idx.add.f32.msk $0xffff, v2  }
0x7a: {  	v3 =	vor.u32 v3, v37;
	[tilespmem:v6+s7+$0x0] =	vst.idx.add.f32.msk $0xffff, v2  }
0x7b: {  	[tilespmem:v7+s7+$0x0] =	vst.idx.add.f32.msk $0xffff, v2  }
0x7c: {  	[tilespmem:v10+s7+$0x0] =	vst.idx.add.f32.msk $0xffff, v2  }
0x7d: {  	s10 =	sadd.s32 $0x1, s10;
	[tilespmem:v9+s7+$0x0] =	vst.idx.add.f32.msk $0xffff, v2  }
0x7e: {  	p0 =	sne.s32 s10, s5;
	[tilespmem:v63+s7+$0x0] =	vst.idx.add.f32.msk $0xffff, v2  }
.Ltmp1:
0x7f: {  	[tilespmem:v3+s7+$0x0] =	vst.idx.add.f32.msk $0xffff, v2;
	(pc) =	sbr.rel @p0 .LBB2_1-.Ltmp1, $4  }
0x80: {  	[hbm4b:s4+s8] =	stream.strided.scatter [tilespmem:s7], [sflag:$0x1], $0x2000, s9, s8, $0x38;
	[tilespmem:$0x2200] =	vst v63  }
0x81: {  	_ =	swait.ge [sflag:s6], $0x2000  }
0x82: {  	[sflag:s6] =	ssyncset.done $0x0  }
0x83: {  	[sflag:s6] =	ssyncadd.s32 $0xFFFFE000  }
0x84: {  	_ =	sfence.sel $0x180000  }
0x85: {  	[bflag:$0x0] =	sbarrier.arrive $0xFFFF  }
0x86: {  	p0 =	sne.s32 s1, $0x0;
	_ =	strace $0x90000047  }
0x87: {  	s0 =	sadd.s32 @!p0 $0x100000, s0;
	[bflag:$0x2] =	sbarrier.arrive $0xFFFF  }
0x88: {  	[sflag:s0] =	ssyncadd.tile.s32 @!p0 $0x1;
	_ =	shalt  }
.Lfunc_end2:
_tile_overlayer_lowered:
.L_overlay_start_2:
0x89: {  	(tag) =	ssettag $0x2  }
0x8a: {  	s0 =	rddreg [dreg:$0x0];
	s2 =	stileid.u32  }
0x8b: {  	s1 =	rddreg [dreg:$0x1];
	p0 =	sne.s32 s2, $0x0  }
0x8c: {  	s3 =	rddreg [dreg:$0x2];
	[bflag:$0x3] =	sbarrier.arrive $0xFFFF;
	s2 =	simm.s32 @!p0 $0x1C01  }
0x8d: {  	[timem:s3], [sflag:s2] =	dma.local @!p0 [hbm:s0], s1  }
0x8e: {  	s0 =	simm.s32 @!p0 $0x1  }
0x8f: {  	_ =	swait.ge @!p0 [sflag:s0], s1  }
0x90: {  	s1 =	ssub.s32 @!p0 $0x0, s1;
	[sflag:s0] =	ssyncset.done @!p0 $0x0  }
0x91: {  	[sflag:s0] =	ssyncadd.s32 @!p0 s1  }
0x92: {  	[bflag:$0x3] =	sbarrier.arrive $0xFFFF  }
0x93: {  	_ =	shalt  }

</sc_bundles>
